<compile_context>
chip_gen: v7x
topology: tpu7x:2x2x1
jax: 0.10.2.dev20260603
libtpu: 0.0.44.dev20260713+nightly
codegen_flags: <defaults>
</compile_context>

<pallas_src>
import functools

import jax
import jax.numpy as jnp
from jax import lax
from jax.experimental import pallas as pl
from jax.experimental.pallas import tpu as pltpu
from jax.experimental.pallas import tpu_sc as plsc

_B = 16384
_F = 26
_N = _B * _F
_KEY_RANGE = 64
_NKEYS = 32
_LANES = 16
_NWORKERS = 32
_CHUNK = _N // _NWORKERS
_NOUT = 8
_WPEROUT = _NWORKERS // _NOUT
_OUTLEN = _N // _NOUT


def _lookup_body(x_hbm, dk_hbm, dv_hbm, *refs):
    outs = refs[:_NOUT]
    x_v, out_v, lut_v, dk_v, dv_v, sem = refs[_NOUT:]
    wid = lax.axis_index("s") * 2 + lax.axis_index("c")
    base = wid * _CHUNK
    in_dma = pltpu.async_copy(x_hbm.at[pl.ds(base, _CHUNK)], x_v, sem)
    pltpu.sync_copy(dk_hbm, dk_v)
    pltpu.sync_copy(dv_hbm, dv_v)

    zero = jnp.zeros((_LANES,), jnp.int32)
    for i in range(_KEY_RANGE // _LANES):
        lut_v[pl.ds(i * _LANES, _LANES)] = zero
    for j in range(_NKEYS // _LANES):
        k = dk_v[pl.ds(j * _LANES, _LANES)]
        v = dv_v[pl.ds(j * _LANES, _LANES)]
        plsc.store_scatter(lut_v, [k], v)
    in_dma.wait()

    @plsc.parallel_loop(
        jnp.int32(0), jnp.int32(_CHUNK), step=jnp.int32(_LANES), unroll=8
    )
    def _step(off):
        keys = x_v[pl.ds(off, _LANES)]
        out_v[pl.ds(off, _LANES)] = plsc.load_gather(lut_v, [keys])

    sub = wid % jnp.int32(_WPEROUT)
    off = sub * jnp.int32(_CHUNK)
    grp = wid // jnp.int32(_WPEROUT)
    for j in range(_NOUT):
        @pl.when(grp == jnp.int32(j))
        def _():
            pltpu.sync_copy(out_v, outs[j].at[pl.ds(off, _CHUNK)])


_lookup = functools.partial(
    pl.kernel,
    out_type=tuple(
        jax.ShapeDtypeStruct((_OUTLEN,), jnp.int32) for _ in range(_NOUT)
    ),
    mesh=plsc.VectorSubcoreMesh(core_axis_name="c", subcore_axis_name="s"),
    compiler_params=pltpu.CompilerParams(needs_layout_passes=False),
    scratch_types=[
        pltpu.VMEM((_CHUNK,), jnp.int32),
        pltpu.VMEM((_CHUNK,), jnp.int32),
        pltpu.VMEM((_KEY_RANGE,), jnp.int32),
        pltpu.VMEM((_NKEYS,), jnp.int32),
        pltpu.VMEM((_NKEYS,), jnp.int32),
        pltpu.SemaphoreType.DMA,
    ],
)(_lookup_body)


def kernel(input, dict_keys, dict_values):
    x32 = input.reshape(_N).astype(jnp.int32)
    dk32 = dict_keys.astype(jnp.int32)
    dv32 = dict_values.astype(jnp.int32)
    outs = _lookup(x32, dk32, dv32)
    out32 = jnp.concatenate(outs)
    return out32.astype(jnp.int64).reshape(_B, _F)

# --- scband reference (transcript-rebuilt; emitter-appended) ---
"""Pipeline reference for scband-key-mapper-309237646128 (READ-ONLY COPY).

The authoritative reference and input builder live on the scoring server;
editing this copy changes nothing except your own understanding.
"""

import jax, jax.numpy as jnp
import numpy as np
jax.config.update("jax_enable_x64", True)

# KeyMapper: remaps hashed keys -> embedding keys via a Python dict with default 0.
# We represent the dict as two sorted parallel int64 arrays (dict_keys, dict_values).
# The dict used here matches init_kwargs: {i: 2*i+1 for i in range(32)}.

B = 16384
F = 26
KEY_RANGE = 64  # input hashed keys drawn from [0, 64); only 0..31 are present in the map
N_KEYS = 32


def setup_inputs(seed: int = 0) -> dict:
    key = jax.random.key(seed)
    inp = jax.random.randint(key, (B, F), 0, KEY_RANGE, dtype=jnp.int64)
    # dict representation: sorted keys and their mapped values
    dict_keys = jnp.arange(N_KEYS, dtype=jnp.int64)
    dict_values = jnp.arange(N_KEYS, dtype=jnp.int64) * 2 + 1
    return {"input": inp, "dict_keys": dict_keys, "dict_values": dict_values}


def reference(input, dict_keys, dict_values):
    # Faithful translation of: values = [self.dict.get(int(k), 0) for k in input.flatten()]
    flat = input.flatten()
    # binary search into sorted dict keys
    pos = jnp.searchsorted(dict_keys, flat)
    pos = jnp.clip(pos, 0, dict_keys.shape[0] - 1)
    found = jnp.take(dict_keys, pos) == flat
    mapped = jnp.take(dict_values, pos)
    vals = jnp.where(found, mapped, jnp.zeros_like(flat))  # dict.get(..., 0) default
    return vals.reshape(input.shape)

if __name__ == "__main__":
    import jax
    _d = setup_inputs()
    print(jax.jit(kernel)(*tuple(_d.values())))

</pallas_src>

<mosaic_0001>
#map = affine_map<(d0, d1) -> (0)>
module attributes {stable_mosaic.version = 14 : i64} {
  func.func @_lookup_body(%arg0: i32, %arg1: i32, %arg2: memref<425984xi32, #tpu.memory_space<hbm>>, %arg3: memref<32xi32, #tpu.memory_space<hbm>>, %arg4: memref<32xi32, #tpu.memory_space<hbm>>, %arg5: memref<53248xi32, #tpu.memory_space<hbm>>, %arg6: memref<53248xi32, #tpu.memory_space<hbm>>, %arg7: memref<53248xi32, #tpu.memory_space<hbm>>, %arg8: memref<53248xi32, #tpu.memory_space<hbm>>, %arg9: memref<53248xi32, #tpu.memory_space<hbm>>, %arg10: memref<53248xi32, #tpu.memory_space<hbm>>, %arg11: memref<53248xi32, #tpu.memory_space<hbm>>, %arg12: memref<53248xi32, #tpu.memory_space<hbm>>, %arg13: memref<13312xi32, #tpu.memory_space<vmem>>, %arg14: memref<13312xi32, #tpu.memory_space<vmem>>, %arg15: memref<64xi32, #tpu.memory_space<vmem>>, %arg16: memref<32xi32, #tpu.memory_space<vmem>>, %arg17: memref<32xi32, #tpu.memory_space<vmem>>, %arg18: memref<!tpu.dma_semaphore, #tpu.memory_space<semaphore_mem>>) attributes {dimension_semantics = [#tpu.dimension_semantics<core_parallel>, #tpu.dimension_semantics<subcore_parallel>], iteration_bounds = array<i64: 2, 16>, scalar_prefetch = 0 : i64, scratch_operands = 6 : i64, tpu.core_type = #tpu.core_type<sc_vector_subcore>, window_params = [{transform_indices = #map}, {transform_indices = #map}, {transform_indices = #map}, {transform_indices = #map}, {transform_indices = #map}, {transform_indices = #map}, {transform_indices = #map}, {transform_indices = #map}, {transform_indices = #map}, {transform_indices = #map}, {transform_indices = #map}]} {
    %mul3A = arith.constant 2 : i32
    %mul3A_0 = arith.muli %arg1, %mul3A : i32
    %add3A = arith.addi %mul3A_0, %arg0 : i32
    %mul3A_1 = arith.constant 13312 : i32
    %mul3A_2 = arith.muli %add3A, %mul3A_1 : i32
    %dma_start3A = tpu.memref_slice %arg2[%mul3A_2] : memref<425984xi32, #tpu.memory_space<hbm>> -> memref<13312xi32, #tpu.memory_space<hbm>>
    %dma_start3A_3 = tpu.memref_slice %arg2[%mul3A_2] : memref<425984xi32, #tpu.memory_space<hbm>> -> memref<13312xi32, #tpu.memory_space<hbm>>
    tpu.enqueue_dma source(%dma_start3A_3 : memref<13312xi32, #tpu.memory_space<hbm>>) target(%arg13 : memref<13312xi32, #tpu.memory_space<vmem>>) target_semaphore(%arg18 : memref<!tpu.dma_semaphore, #tpu.memory_space<semaphore_mem>>)
    "tpu.region"() ({
      %run_scoped3A = tpu.sem_alloc : memref<!tpu.dma_semaphore, #tpu.memory_space<semaphore_mem>>
      tpu.enqueue_dma source(%arg3 : memref<32xi32, #tpu.memory_space<hbm>>) target(%arg16 : memref<32xi32, #tpu.memory_space<vmem>>) target_semaphore(%run_scoped3A : memref<!tpu.dma_semaphore, #tpu.memory_space<semaphore_mem>>)
      tpu.wait_dma2 semaphore(%run_scoped3A : memref<!tpu.dma_semaphore, #tpu.memory_space<semaphore_mem>>) src(%arg3 : memref<32xi32, #tpu.memory_space<hbm>>) dst(%arg16 : memref<32xi32, #tpu.memory_space<vmem>>)
      tpu.yield
    }) : () -> ()
    "tpu.region"() ({
      %run_scoped3A = tpu.sem_alloc : memref<!tpu.dma_semaphore, #tpu.memory_space<semaphore_mem>>
      tpu.enqueue_dma source(%arg4 : memref<32xi32, #tpu.memory_space<hbm>>) target(%arg17 : memref<32xi32, #tpu.memory_space<vmem>>) target_semaphore(%run_scoped3A : memref<!tpu.dma_semaphore, #tpu.memory_space<semaphore_mem>>)
      tpu.wait_dma2 semaphore(%run_scoped3A : memref<!tpu.dma_semaphore, #tpu.memory_space<semaphore_mem>>) src(%arg4 : memref<32xi32, #tpu.memory_space<hbm>>) dst(%arg17 : memref<32xi32, #tpu.memory_space<vmem>>)
      tpu.yield
    }) : () -> ()
    %broadcast_in_dim3A = arith.constant 0 : i32
    %broadcast_in_dim3A_4 = vector.broadcast %broadcast_in_dim3A : i32 to vector<16xi32>
    %swap3A = arith.constant 0 : index
    %swap3A_5 = tpu.vector_load %arg15[%swap3A] {strides = array<i32>} : memref<64xi32, #tpu.memory_space<vmem>>, vector<16xi32>,
    tpu.vector_store %arg15[%swap3A], %broadcast_in_dim3A_4 {strides = array<i32>} : memref<64xi32, #tpu.memory_space<vmem>>, vector<16xi32>,
    %swap3A_6 = arith.constant 16 : index
    %swap3A_7 = tpu.vector_load %arg15[%swap3A_6] {strides = array<i32>} : memref<64xi32, #tpu.memory_space<vmem>>, vector<16xi32>,
    tpu.vector_store %arg15[%swap3A_6], %broadcast_in_dim3A_4 {strides = array<i32>} : memref<64xi32, #tpu.memory_space<vmem>>, vector<16xi32>,
    %swap3A_8 = arith.constant 32 : index
    %swap3A_9 = tpu.vector_load %arg15[%swap3A_8] {strides = array<i32>} : memref<64xi32, #tpu.memory_space<vmem>>, vector<16xi32>,
    tpu.vector_store %arg15[%swap3A_8], %broadcast_in_dim3A_4 {strides = array<i32>} : memref<64xi32, #tpu.memory_space<vmem>>, vector<16xi32>,
    %swap3A_10 = arith.constant 48 : index
    %swap3A_11 = tpu.vector_load %arg15[%swap3A_10] {strides = array<i32>} : memref<64xi32, #tpu.memory_space<vmem>>, vector<16xi32>,
    tpu.vector_store %arg15[%swap3A_10], %broadcast_in_dim3A_4 {strides = array<i32>} : memref<64xi32, #tpu.memory_space<vmem>>, vector<16xi32>,
    %get3A = arith.constant 0 : index
    %get3A_12 = tpu.vector_load %arg16[%get3A] {strides = array<i32>} : memref<32xi32, #tpu.memory_space<vmem>>, vector<16xi32>,
    %get3A_13 = arith.constant 0 : index
    %get3A_14 = tpu.vector_load %arg17[%get3A_13] {strides = array<i32>} : memref<32xi32, #tpu.memory_space<vmem>>, vector<16xi32>,
    tpu.vector_store_idx %arg15[%get3A_12], %get3A_14 : memref<64xi32, #tpu.memory_space<vmem>>[vector<16xi32>], vector<16xi32>,
    %get3A_15 = arith.constant 16 : index
    %get3A_16 = tpu.vector_load %arg16[%get3A_15] {strides = array<i32>} : memref<32xi32, #tpu.memory_space<vmem>>, vector<16xi32>,
    %get3A_17 = arith.constant 16 : index
    %get3A_18 = tpu.vector_load %arg17[%get3A_17] {strides = array<i32>} : memref<32xi32, #tpu.memory_space<vmem>>, vector<16xi32>,
    tpu.vector_store_idx %arg15[%get3A_16], %get3A_18 : memref<64xi32, #tpu.memory_space<vmem>>[vector<16xi32>], vector<16xi32>,
    %dma_wait3A = tpu.memref_slice %arg2[%mul3A_2] : memref<425984xi32, #tpu.memory_space<hbm>> -> memref<13312xi32, #tpu.memory_space<hbm>>
    %dma_wait3A_19 = tpu.memref_slice %arg2[%mul3A_2] : memref<425984xi32, #tpu.memory_space<hbm>> -> memref<13312xi32, #tpu.memory_space<hbm>>
    tpu.wait_dma2 semaphore(%arg18 : memref<!tpu.dma_semaphore, #tpu.memory_space<semaphore_mem>>) src(%dma_wait3A_19 : memref<13312xi32, #tpu.memory_space<hbm>>) dst(%arg13 : memref<13312xi32, #tpu.memory_space<vmem>>)
    %parallel_loop3A = arith.constant 0 : i32
    %parallel_loop3A_20 = arith.constant 13312 : i32
    %parallel_loop3A_21 = arith.constant 16 : i32
    scf.for %parallel_loop3A_92 = %parallel_loop3A to %parallel_loop3A_20 step %parallel_loop3A_21  : i32 {
      %parallel_loop3A_93 = arith.index_cast %parallel_loop3A_92 : i32 to index
      %parallel_loop3A_94 = tpu.vector_load %arg13[%parallel_loop3A_93] {strides = array<i32>} : memref<13312xi32, #tpu.memory_space<vmem>>, vector<16xi32>,
      %parallel_loop3A_95 = tpu.vector_load_idx %arg15[%parallel_loop3A_94] : memref<64xi32, #tpu.memory_space<vmem>>[vector<16xi32>], vector<16xi32>,
      %parallel_loop3A_96 = arith.index_cast %parallel_loop3A_92 : i32 to index
      %parallel_loop3A_97 = tpu.vector_load %arg14[%parallel_loop3A_96] {strides = array<i32>} : memref<13312xi32, #tpu.memory_space<vmem>>, vector<16xi32>,
      tpu.vector_store %arg14[%parallel_loop3A_96], %parallel_loop3A_95 {strides = array<i32>} : memref<13312xi32, #tpu.memory_space<vmem>>, vector<16xi32>,
    } {sc.loop_unroll_factor = 8 : i64, sc.parallel_access}
    %jit3A = arith.constant 4 : i32
    %eq3A = arith.constant 0 : i32
    %eq3A_22 = arith.cmpi eq, %jit3A, %eq3A : i32
    %jit3A_23 = arith.constant 1 : i32
    %select_n3A = arith.select %eq3A_22, %jit3A_23, %jit3A : i32
    %rem3A = arith.remsi %add3A, %select_n3A : i32
    %ne3A = arith.constant 0 : i32
    %ne3A_24 = arith.cmpi ne, %rem3A, %ne3A : i32
    %lt3A = arith.constant 0 : i32
    %lt3A_25 = arith.cmpi slt, %rem3A, %lt3A : i32
    %lt3A_26 = arith.constant 0 : i32
    %lt3A_27 = arith.cmpi slt, %select_n3A, %lt3A_26 : i32
    %ne3A_28 = arith.xori %lt3A_25, %lt3A_27 : i1
    %and3A = arith.andi %ne3A_28, %ne3A_24 : i1
    %add3A_29 = arith.addi %rem3A, %select_n3A : i32
    %select_n3A_30 = arith.select %and3A, %add3A_29, %rem3A : i32
    %mul3A_31 = arith.constant 13312 : i32
    %mul3A_32 = arith.muli %select_n3A_30, %mul3A_31 : i32
    %jit3A_33 = arith.constant 4 : i32
    %div3A = arith.divsi %add3A, %jit3A_33 : i32
    %sign3A = arith.constant 0 : i32
    %sign3A_34 = arith.cmpi sgt, %add3A, %sign3A : i32
    %sign3A_35 = arith.extui %sign3A_34 : i1 to i32
    %sign3A_36 = arith.constant 0 : i32
    %sign3A_37 = arith.cmpi slt, %add3A, %sign3A_36 : i32
    %sign3A_38 = arith.extui %sign3A_37 : i1 to i32
    %sign3A_39 = arith.subi %sign3A_35, %sign3A_38 : i32
    %sign3A_40 = arith.constant 0 : i32
    %sign3A_41 = arith.cmpi sgt, %jit3A_33, %sign3A_40 : i32
    %sign3A_42 = arith.extui %sign3A_41 : i1 to i32
    %sign3A_43 = arith.constant 0 : i32
    %sign3A_44 = arith.cmpi slt, %jit3A_33, %sign3A_43 : i32
    %sign3A_45 = arith.extui %sign3A_44 : i1 to i32
    %sign3A_46 = arith.subi %sign3A_42, %sign3A_45 : i32
    %ne3A_47 = arith.cmpi ne, %sign3A_39, %sign3A_46 : i32
    %rem3A_48 = arith.remsi %add3A, %jit3A_33 : i32
    %ne3A_49 = arith.constant 0 : i32
    %ne3A_50 = arith.cmpi ne, %rem3A_48, %ne3A_49 : i32
    %and3A_51 = arith.andi %ne3A_47, %ne3A_50 : i1
    %sub3A = arith.constant 1 : i32
    %sub3A_52 = arith.subi %div3A, %sub3A : i32
    %select_n3A_53 = arith.select %and3A_51, %sub3A_52, %div3A : i32
    %eq3A_54 = arith.constant 0 : i32
    %eq3A_55 = arith.cmpi eq, %select_n3A_53, %eq3A_54 : i32
    %convert_element_type3A = arith.extui %eq3A_55 : i1 to i32
    %cond3A = arith.constant 0 : i32
    %cond3A_56 = arith.cmpi ne, %convert_element_type3A, %cond3A : i32
    scf.if %cond3A_56 {
      "tpu.region"() ({
        %run_scoped3A = tpu.sem_alloc : memref<!tpu.dma_semaphore, #tpu.memory_space<semaphore_mem>>
        %dma_start3A_92 = tpu.memref_slice %arg5[%mul3A_32] : memref<53248xi32, #tpu.memory_space<hbm>> -> memref<13312xi32, #tpu.memory_space<hbm>>
        %dma_start3A_93 = tpu.memref_slice %arg5[%mul3A_32] : memref<53248xi32, #tpu.memory_space<hbm>> -> memref<13312xi32, #tpu.memory_space<hbm>>
        tpu.enqueue_dma source(%arg14 : memref<13312xi32, #tpu.memory_space<vmem>>) target(%dma_start3A_93 : memref<13312xi32, #tpu.memory_space<hbm>>) target_semaphore(%run_scoped3A : memref<!tpu.dma_semaphore, #tpu.memory_space<semaphore_mem>>)
        %dma_wait3A_94 = tpu.memref_slice %arg5[%mul3A_32] : memref<53248xi32, #tpu.memory_space<hbm>> -> memref<13312xi32, #tpu.memory_space<hbm>>
        %dma_wait3A_95 = tpu.memref_slice %arg5[%mul3A_32] : memref<53248xi32, #tpu.memory_space<hbm>> -> memref<13312xi32, #tpu.memory_space<hbm>>
        tpu.wait_dma2 semaphore(%run_scoped3A : memref<!tpu.dma_semaphore, #tpu.memory_space<semaphore_mem>>) src(%arg14 : memref<13312xi32, #tpu.memory_space<vmem>>) dst(%dma_wait3A_95 : memref<13312xi32, #tpu.memory_space<hbm>>)
        tpu.yield
      }) : () -> ()
    } else {
    }
    %eq3A_57 = arith.constant 1 : i32
    %eq3A_58 = arith.cmpi eq, %select_n3A_53, %eq3A_57 : i32
    %convert_element_type3A_59 = arith.extui %eq3A_58 : i1 to i32
    %cond3A_60 = arith.constant 0 : i32
    %cond3A_61 = arith.cmpi ne, %convert_element_type3A_59, %cond3A_60 : i32
    scf.if %cond3A_61 {
      "tpu.region"() ({
        %run_scoped3A = tpu.sem_alloc : memref<!tpu.dma_semaphore, #tpu.memory_space<semaphore_mem>>
        %dma_start3A_92 = tpu.memref_slice %arg6[%mul3A_32] : memref<53248xi32, #tpu.memory_space<hbm>> -> memref<13312xi32, #tpu.memory_space<hbm>>
        %dma_start3A_93 = tpu.memref_slice %arg6[%mul3A_32] : memref<53248xi32, #tpu.memory_space<hbm>> -> memref<13312xi32, #tpu.memory_space<hbm>>
        tpu.enqueue_dma source(%arg14 : memref<13312xi32, #tpu.memory_space<vmem>>) target(%dma_start3A_93 : memref<13312xi32, #tpu.memory_space<hbm>>) target_semaphore(%run_scoped3A : memref<!tpu.dma_semaphore, #tpu.memory_space<semaphore_mem>>)
        %dma_wait3A_94 = tpu.memref_slice %arg6[%mul3A_32] : memref<53248xi32, #tpu.memory_space<hbm>> -> memref<13312xi32, #tpu.memory_space<hbm>>
        %dma_wait3A_95 = tpu.memref_slice %arg6[%mul3A_32] : memref<53248xi32, #tpu.memory_space<hbm>> -> memref<13312xi32, #tpu.memory_space<hbm>>
        tpu.wait_dma2 semaphore(%run_scoped3A : memref<!tpu.dma_semaphore, #tpu.memory_space<semaphore_mem>>) src(%arg14 : memref<13312xi32, #tpu.memory_space<vmem>>) dst(%dma_wait3A_95 : memref<13312xi32, #tpu.memory_space<hbm>>)
        tpu.yield
      }) : () -> ()
    } else {
    }
    %eq3A_62 = arith.constant 2 : i32
    %eq3A_63 = arith.cmpi eq, %select_n3A_53, %eq3A_62 : i32
    %convert_element_type3A_64 = arith.extui %eq3A_63 : i1 to i32
    %cond3A_65 = arith.constant 0 : i32
    %cond3A_66 = arith.cmpi ne, %convert_element_type3A_64, %cond3A_65 : i32
    scf.if %cond3A_66 {
      "tpu.region"() ({
        %run_scoped3A = tpu.sem_alloc : memref<!tpu.dma_semaphore, #tpu.memory_space<semaphore_mem>>
        %dma_start3A_92 = tpu.memref_slice %arg7[%mul3A_32] : memref<53248xi32, #tpu.memory_space<hbm>> -> memref<13312xi32, #tpu.memory_space<hbm>>
        %dma_start3A_93 = tpu.memref_slice %arg7[%mul3A_32] : memref<53248xi32, #tpu.memory_space<hbm>> -> memref<13312xi32, #tpu.memory_space<hbm>>
        tpu.enqueue_dma source(%arg14 : memref<13312xi32, #tpu.memory_space<vmem>>) target(%dma_start3A_93 : memref<13312xi32, #tpu.memory_space<hbm>>) target_semaphore(%run_scoped3A : memref<!tpu.dma_semaphore, #tpu.memory_space<semaphore_mem>>)
        %dma_wait3A_94 = tpu.memref_slice %arg7[%mul3A_32] : memref<53248xi32, #tpu.memory_space<hbm>> -> memref<13312xi32, #tpu.memory_space<hbm>>
        %dma_wait3A_95 = tpu.memref_slice %arg7[%mul3A_32] : memref<53248xi32, #tpu.memory_space<hbm>> -> memref<13312xi32, #tpu.memory_space<hbm>>
        tpu.wait_dma2 semaphore(%run_scoped3A : memref<!tpu.dma_semaphore, #tpu.memory_space<semaphore_mem>>) src(%arg14 : memref<13312xi32, #tpu.memory_space<vmem>>) dst(%dma_wait3A_95 : memref<13312xi32, #tpu.memory_space<hbm>>)
        tpu.yield
      }) : () -> ()
    } else {
    }
    %eq3A_67 = arith.constant 3 : i32
    %eq3A_68 = arith.cmpi eq, %select_n3A_53, %eq3A_67 : i32
    %convert_element_type3A_69 = arith.extui %eq3A_68 : i1 to i32
    %cond3A_70 = arith.constant 0 : i32
    %cond3A_71 = arith.cmpi ne, %convert_element_type3A_69, %cond3A_70 : i32
    scf.if %cond3A_71 {
      "tpu.region"() ({
        %run_scoped3A = tpu.sem_alloc : memref<!tpu.dma_semaphore, #tpu.memory_space<semaphore_mem>>
        %dma_start3A_92 = tpu.memref_slice %arg8[%mul3A_32] : memref<53248xi32, #tpu.memory_space<hbm>> -> memref<13312xi32, #tpu.memory_space<hbm>>
        %dma_start3A_93 = tpu.memref_slice %arg8[%mul3A_32] : memref<53248xi32, #tpu.memory_space<hbm>> -> memref<13312xi32, #tpu.memory_space<hbm>>
        tpu.enqueue_dma source(%arg14 : memref<13312xi32, #tpu.memory_space<vmem>>) target(%dma_start3A_93 : memref<13312xi32, #tpu.memory_space<hbm>>) target_semaphore(%run_scoped3A : memref<!tpu.dma_semaphore, #tpu.memory_space<semaphore_mem>>)
        %dma_wait3A_94 = tpu.memref_slice %arg8[%mul3A_32] : memref<53248xi32, #tpu.memory_space<hbm>> -> memref<13312xi32, #tpu.memory_space<hbm>>
        %dma_wait3A_95 = tpu.memref_slice %arg8[%mul3A_32] : memref<53248xi32, #tpu.memory_space<hbm>> -> memref<13312xi32, #tpu.memory_space<hbm>>
        tpu.wait_dma2 semaphore(%run_scoped3A : memref<!tpu.dma_semaphore, #tpu.memory_space<semaphore_mem>>) src(%arg14 : memref<13312xi32, #tpu.memory_space<vmem>>) dst(%dma_wait3A_95 : memref<13312xi32, #tpu.memory_space<hbm>>)
        tpu.yield
      }) : () -> ()
    } else {
    }
    %eq3A_72 = arith.constant 4 : i32
    %eq3A_73 = arith.cmpi eq, %select_n3A_53, %eq3A_72 : i32
    %convert_element_type3A_74 = arith.extui %eq3A_73 : i1 to i32
    %cond3A_75 = arith.constant 0 : i32
    %cond3A_76 = arith.cmpi ne, %convert_element_type3A_74, %cond3A_75 : i32
    scf.if %cond3A_76 {
      "tpu.region"() ({
        %run_scoped3A = tpu.sem_alloc : memref<!tpu.dma_semaphore, #tpu.memory_space<semaphore_mem>>
        %dma_start3A_92 = tpu.memref_slice %arg9[%mul3A_32] : memref<53248xi32, #tpu.memory_space<hbm>> -> memref<13312xi32, #tpu.memory_space<hbm>>
        %dma_start3A_93 = tpu.memref_slice %arg9[%mul3A_32] : memref<53248xi32, #tpu.memory_space<hbm>> -> memref<13312xi32, #tpu.memory_space<hbm>>
        tpu.enqueue_dma source(%arg14 : memref<13312xi32, #tpu.memory_space<vmem>>) target(%dma_start3A_93 : memref<13312xi32, #tpu.memory_space<hbm>>) target_semaphore(%run_scoped3A : memref<!tpu.dma_semaphore, #tpu.memory_space<semaphore_mem>>)
        %dma_wait3A_94 = tpu.memref_slice %arg9[%mul3A_32] : memref<53248xi32, #tpu.memory_space<hbm>> -> memref<13312xi32, #tpu.memory_space<hbm>>
        %dma_wait3A_95 = tpu.memref_slice %arg9[%mul3A_32] : memref<53248xi32, #tpu.memory_space<hbm>> -> memref<13312xi32, #tpu.memory_space<hbm>>
        tpu.wait_dma2 semaphore(%run_scoped3A : memref<!tpu.dma_semaphore, #tpu.memory_space<semaphore_mem>>) src(%arg14 : memref<13312xi32, #tpu.memory_space<vmem>>) dst(%dma_wait3A_95 : memref<13312xi32, #tpu.memory_space<hbm>>)
        tpu.yield
      }) : () -> ()
    } else {
    }
    %eq3A_77 = arith.constant 5 : i32
    %eq3A_78 = arith.cmpi eq, %select_n3A_53, %eq3A_77 : i32
    %convert_element_type3A_79 = arith.extui %eq3A_78 : i1 to i32
    %cond3A_80 = arith.constant 0 : i32
    %cond3A_81 = arith.cmpi ne, %convert_element_type3A_79, %cond3A_80 : i32
    scf.if %cond3A_81 {
      "tpu.region"() ({
        %run_scoped3A = tpu.sem_alloc : memref<!tpu.dma_semaphore, #tpu.memory_space<semaphore_mem>>
        %dma_start3A_92 = tpu.memref_slice %arg10[%mul3A_32] : memref<53248xi32, #tpu.memory_space<hbm>> -> memref<13312xi32, #tpu.memory_space<hbm>>
        %dma_start3A_93 = tpu.memref_slice %arg10[%mul3A_32] : memref<53248xi32, #tpu.memory_space<hbm>> -> memref<13312xi32, #tpu.memory_space<hbm>>
        tpu.enqueue_dma source(%arg14 : memref<13312xi32, #tpu.memory_space<vmem>>) target(%dma_start3A_93 : memref<13312xi32, #tpu.memory_space<hbm>>) target_semaphore(%run_scoped3A : memref<!tpu.dma_semaphore, #tpu.memory_space<semaphore_mem>>)
        %dma_wait3A_94 = tpu.memref_slice %arg10[%mul3A_32] : memref<53248xi32, #tpu.memory_space<hbm>> -> memref<13312xi32, #tpu.memory_space<hbm>>
        %dma_wait3A_95 = tpu.memref_slice %arg10[%mul3A_32] : memref<53248xi32, #tpu.memory_space<hbm>> -> memref<13312xi32, #tpu.memory_space<hbm>>
        tpu.wait_dma2 semaphore(%run_scoped3A : memref<!tpu.dma_semaphore, #tpu.memory_space<semaphore_mem>>) src(%arg14 : memref<13312xi32, #tpu.memory_space<vmem>>) dst(%dma_wait3A_95 : memref<13312xi32, #tpu.memory_space<hbm>>)
        tpu.yield
      }) : () -> ()
    } else {
    }
    %eq3A_82 = arith.constant 6 : i32
    %eq3A_83 = arith.cmpi eq, %select_n3A_53, %eq3A_82 : i32
    %convert_element_type3A_84 = arith.extui %eq3A_83 : i1 to i32
    %cond3A_85 = arith.constant 0 : i32
    %cond3A_86 = arith.cmpi ne, %convert_element_type3A_84, %cond3A_85 : i32
    scf.if %cond3A_86 {
      "tpu.region"() ({
        %run_scoped3A = tpu.sem_alloc : memref<!tpu.dma_semaphore, #tpu.memory_space<semaphore_mem>>
        %dma_start3A_92 = tpu.memref_slice %arg11[%mul3A_32] : memref<53248xi32, #tpu.memory_space<hbm>> -> memref<13312xi32, #tpu.memory_space<hbm>>
        %dma_start3A_93 = tpu.memref_slice %arg11[%mul3A_32] : memref<53248xi32, #tpu.memory_space<hbm>> -> memref<13312xi32, #tpu.memory_space<hbm>>
        tpu.enqueue_dma source(%arg14 : memref<13312xi32, #tpu.memory_space<vmem>>) target(%dma_start3A_93 : memref<13312xi32, #tpu.memory_space<hbm>>) target_semaphore(%run_scoped3A : memref<!tpu.dma_semaphore, #tpu.memory_space<semaphore_mem>>)
        %dma_wait3A_94 = tpu.memref_slice %arg11[%mul3A_32] : memref<53248xi32, #tpu.memory_space<hbm>> -> memref<13312xi32, #tpu.memory_space<hbm>>
        %dma_wait3A_95 = tpu.memref_slice %arg11[%mul3A_32] : memref<53248xi32, #tpu.memory_space<hbm>> -> memref<13312xi32, #tpu.memory_space<hbm>>
        tpu.wait_dma2 semaphore(%run_scoped3A : memref<!tpu.dma_semaphore, #tpu.memory_space<semaphore_mem>>) src(%arg14 : memref<13312xi32, #tpu.memory_space<vmem>>) dst(%dma_wait3A_95 : memref<13312xi32, #tpu.memory_space<hbm>>)
        tpu.yield
      }) : () -> ()
    } else {
    }
    %eq3A_87 = arith.constant 7 : i32
    %eq3A_88 = arith.cmpi eq, %select_n3A_53, %eq3A_87 : i32
    %convert_element_type3A_89 = arith.extui %eq3A_88 : i1 to i32
    %cond3A_90 = arith.constant 0 : i32
    %cond3A_91 = arith.cmpi ne, %convert_element_type3A_89, %cond3A_90 : i32
    scf.if %cond3A_91 {
      "tpu.region"() ({
        %run_scoped3A = tpu.sem_alloc : memref<!tpu.dma_semaphore, #tpu.memory_space<semaphore_mem>>
        %dma_start3A_92 = tpu.memref_slice %arg12[%mul3A_32] : memref<53248xi32, #tpu.memory_space<hbm>> -> memref<13312xi32, #tpu.memory_space<hbm>>
        %dma_start3A_93 = tpu.memref_slice %arg12[%mul3A_32] : memref<53248xi32, #tpu.memory_space<hbm>> -> memref<13312xi32, #tpu.memory_space<hbm>>
        tpu.enqueue_dma source(%arg14 : memref<13312xi32, #tpu.memory_space<vmem>>) target(%dma_start3A_93 : memref<13312xi32, #tpu.memory_space<hbm>>) target_semaphore(%run_scoped3A : memref<!tpu.dma_semaphore, #tpu.memory_space<semaphore_mem>>)
        %dma_wait3A_94 = tpu.memref_slice %arg12[%mul3A_32] : memref<53248xi32, #tpu.memory_space<hbm>> -> memref<13312xi32, #tpu.memory_space<hbm>>
        %dma_wait3A_95 = tpu.memref_slice %arg12[%mul3A_32] : memref<53248xi32, #tpu.memory_space<hbm>> -> memref<13312xi32, #tpu.memory_space<hbm>>
        tpu.wait_dma2 semaphore(%run_scoped3A : memref<!tpu.dma_semaphore, #tpu.memory_space<semaphore_mem>>) src(%arg14 : memref<13312xi32, #tpu.memory_space<vmem>>) dst(%dma_wait3A_95 : memref<13312xi32, #tpu.memory_space<hbm>>)
        tpu.yield
      }) : () -> ()
    } else {
    }
    return
  }
}

</mosaic_0001>

<sc_bundles>
// kernel: kernel.3.cloned.1.call-start
scs
__scs_entry_jumppad:
0x0: {  	(pc) =	sbr.rel $0x88, $3  }
0x1: {  	(tag) =	ssettag $0x0;
	lr =	simm.s32 $0x1  }
0x2: {  	[smem:$0x3F9E] =	sst lr;
	_ =	strace $0xD0000000  }
0x3: {  	_ = 	snop  }
0x4: {  	_ = 	snop  }
0x5: {  	_ = 	snop  }
0x6: {  	_ = 	snop  }
0x7: {  	_ = 	snop  }
__scs_overlays_trampoline_lowered:
0x8: {  	[smem:$0x3FAD] =	sst s0  }
0x9: {  	[smem:$0x3FAE] =	sst s1  }
0xa: {  	[smem:$0x3FAF] =	sst s2  }
0xb: {  	[smem:$0x3FB0] =	sst s3  }
0xc: {  	[smem:$0x3FB1] =	sst s4  }
0xd: {  	[smem:$0x3FB2] =	sst s5  }
0xe: {  	[smem:$0x3FB3] =	sst s6  }
0xf: {  	[smem:$0x3FB4] =	sst s7  }
0x10: {  	[smem:$0x3FB5] =	sst s8  }
0x11: {  	[smem:$0x3FB6] =	sst s9;
	s0 =	simm.s32 @!p0 $0x0  }
0x12: {  	s1 =	sld [smem:$0x3F9C];
	s0 =	simm.s32 @p0 $0x1  }
0x13: {  	[smem:$0x3FB7] =	sst s0;
	s0 =	simm.s32 @!p1 $0x0  }
0x14: {  	s2 =	sld [smem:$0x3F9B];
	s0 =	simm.s32 @p1 $0x1  }
0x15: {  	[smem:$0x3FB8] =	sst s0;
	s0 =	simm.s32 @!p2 $0x0  }
0x16: {  	s3 =	sld [smem:$0x3FDB];
	s0 =	simm.s32 @p2 $0x1  }
0x17: {  	s4 =	simm.s32 $0x1BF5;
	[smem:$0x3FBA] =	sst s0  }
0x18: {  	s0 =	sld [smem:$0x3F9D];
	_ =	swait.ge [sflag:s4], $0x0  }
0x19: {  	s7 =	sld [smem:$0x3F9E]  }
0x1a: {  	s8 =	sadd.s32 $0xFFFFE003, lr  }
0x1b: {  	s9 =	sadd.s32 $0xFFFFFEF7, lr;
	s5 =	simm.s32 $0xFFFFFFFF;
	p2 =	slt.u32 s8, $0xFFFFF086  }
0x1c: {  	p1 =	slt.u32 s9, $0xF7A;
	s5 =	simm.s32 @!p2 $0x0  }
0x1d: {  	s5 =	simm.s32 @p1 $0x1;
	p0 =	seq.s32 s7, s2  }
0x1e: {  	s7 =	smul.u32 @!p0 $0xF7A, s2;
	p2 =	seq.s32 @!p0 s5, $0x0  }
0x1f: {  	s9 =	smul.u32 $0xF7A, s1;
	s8 =	simm.s32 @!p0 $0x1BF5;
	p2 =	por !p2, p0  }
0x20: {  	[sflag:s8] =	ssyncset.s32 @!p0 $0xFFFFF086;
	s6 =	sadd.s32 @!p0 s3, s7;
	s7 =	simm.s32 @!p0 $0x108  }
0x21: {  	s3 =	sadd.s32 s3, s9;
	s6 =	sadd.s32 @!p0 $0x88, s6;
	s7 =	simm.s32 @p2 $0x1082  }
0x22: {  	[simem:s7], [sflag:s8] =	dma.local @!p0 [hbm:s6], $0xF7A  }
0x23: {  	s9 =	sor.u32 $0xD0000000, s2;
	s6 =	simm.s32 $0x108;
	_ =	swait.ge @!p0 [sflag:s8], $0x0  }
0x24: {  	s3 =	sadd.s32 $0x88, s3;
	s6 =	simm.s32 @!p1 $0x1082;
	[sflag:s4] =	ssyncset.s32 $0xFFFFF086  }
0x25: {  	[simem:s6], [sflag:s4] =	dma.local [hbm:s3], $0xF7A  }
0x26: {  	[smem:$0x3F9E] =	sst s1;
	(tag) =	ssettag s2;
	_ =	strace s9  }
0x27: {  	s1 =	sld [smem:$0x3FAE]  }
0x28: {  	s2 =	sld [smem:$0x3FAF]  }
0x29: {  	s4 =	sld [smem:$0x3FB1]  }
0x2a: {  	p0 =	seq.s32 s5, $0x0;
	s5 =	sld [smem:$0x3FB2]  }
0x2b: {  	s6 =	sld [smem:$0x3FB3]  }
0x2c: {  	s7 =	sld [smem:$0x3FB4]  }
0x2d: {  	s3 =	simm.s32 $0x108;
	s8 =	sld [smem:$0x3FB5]  }
0x2e: {  	s3 =	simm.s32 @!p0 $0x1082;
	s9 =	sld [smem:$0x3FB6]  }
0x2f: {  	lr =	sadd.s32 s0, s3;
	s0 =	sld [smem:$0x3FAD]  }
0x30: {  	s3 =	sld [smem:$0x3FB0]  }
0x31: {  	[smem:$0x3FB9] =	sst s10  }
0x32: {  	s10 =	sld [smem:$0x3FB7];
	_ =	sdelay $0x3  }
0x33: {  	p0 =	seq.s32 s10, $0x1;
	s10 =	sld [smem:$0x3FB9];
	_ =	sdelay $0x3  }
0x34: {  	[smem:$0x3FB9] =	sst s10  }
0x35: {  	s10 =	sld [smem:$0x3FB8];
	_ =	sdelay $0x3  }
0x36: {  	p1 =	seq.s32 s10, $0x1;
	s10 =	sld [smem:$0x3FB9];
	_ =	sdelay $0x3  }
0x37: {  	[smem:$0x3FB9] =	sst s10  }
0x38: {  	s10 =	sld [smem:$0x3FBA]  }
0x39: {  	_ = 	snop;
	(pc) =	sbr.ind lr, $3  }
0x3a: {  	_ = 	snop  }
0x3b: {  	_ = 	snop  }
0x3c: {  	p2 =	seq.s32 s10, $0x1;
	s10 =	sld [smem:$0x3FB9]  }
0x3d: {  	_ =	shalt  }
0x3e: {  	_ =	shalt  }
0x3f: {  	_ =	shalt  }
0x40: {  	_ =	shalt  }
0x41: {  	_ =	shalt  }
0x42: {  	_ =	shalt  }
0x43: {  	_ =	shalt  }
0x44: {  	_ =	shalt  }
0x45: {  	_ =	shalt  }
0x46: {  	_ =	shalt  }
0x47: {  	_ =	shalt  }
0x48: {  	_ =	shalt  }
0x49: {  	_ =	shalt  }
0x4a: {  	_ =	shalt  }
0x4b: {  	_ =	shalt  }
0x4c: {  	_ =	shalt  }
0x4d: {  	_ =	shalt  }
0x4e: {  	_ =	shalt  }
0x4f: {  	_ =	shalt  }
0x50: {  	_ =	shalt  }
0x51: {  	_ =	shalt  }
0x52: {  	_ =	shalt  }
0x53: {  	_ =	shalt  }
0x54: {  	_ =	shalt  }
0x55: {  	_ =	shalt  }
0x56: {  	_ =	shalt  }
0x57: {  	_ =	shalt  }
0x58: {  	_ =	shalt  }
0x59: {  	_ =	shalt  }
0x5a: {  	_ =	shalt  }
0x5b: {  	_ =	shalt  }
0x5c: {  	_ =	shalt  }
0x5d: {  	_ =	shalt  }
0x5e: {  	_ =	shalt  }
0x5f: {  	_ =	shalt  }
0x60: {  	_ =	shalt  }
0x61: {  	_ =	shalt  }
0x62: {  	_ =	shalt  }
0x63: {  	_ =	shalt  }
0x64: {  	_ =	shalt  }
0x65: {  	_ =	shalt  }
0x66: {  	_ =	shalt  }
0x67: {  	_ =	shalt  }
0x68: {  	_ =	shalt  }
0x69: {  	_ =	shalt  }
0x6a: {  	_ =	shalt  }
0x6b: {  	_ =	shalt  }
0x6c: {  	_ =	shalt  }
0x6d: {  	_ =	shalt  }
0x6e: {  	_ =	shalt  }
0x6f: {  	_ =	shalt  }
0x70: {  	_ =	shalt  }
0x71: {  	_ =	shalt  }
0x72: {  	_ =	shalt  }
0x73: {  	_ =	shalt  }
0x74: {  	_ =	shalt  }
0x75: {  	_ =	shalt  }
0x76: {  	_ =	shalt  }
0x77: {  	_ =	shalt  }
0x78: {  	_ =	shalt  }
0x79: {  	_ =	shalt  }
0x7a: {  	_ =	shalt  }
0x7b: {  	_ =	shalt  }
0x7c: {  	_ =	shalt  }
0x7d: {  	_ =	shalt  }
0x7e: {  	_ =	shalt  }
0x7f: {  	_ =	shalt  }
0x80: {  	_ =	shalt  }
0x81: {  	_ =	shalt  }
0x82: {  	_ =	shalt  }
0x83: {  	_ =	shalt  }
0x84: {  	_ =	shalt  }
0x85: {  	_ =	shalt  }
0x86: {  	_ =	shalt  }
0x87: {  	_ =	shalt  }
.Lfunc_end0:
.L_simem_size_0:
called_computation_lowered:
.L_overlay_start_0:
0x88: {  	s2 =	sld [smem:$0x3FD9]  }
0x89: {  	s3 =	sld [smem:$0x3FFE];
	_ =	sdelay $0x1  }
0x8a: {  	s1 =	srdreg.scid  }
0x8b: {  	s0 =	sand.u32 $0x1, s1  }
0x8c: {  	s17 =	sshll.u32 s0, $0xA;
	s2 =	sadd.s32 s3, s2  }
0x8d: {  	s2 =	sadd.s32 s2, s17  }
0x8e: {  	[smem:$0x3FC5] =	sst s2  }
0x8f: {  	_ = 	snop  }
0x90: {  	s2 =	sld [smem:$0x3FD0];
	(tm) =	ssettm $0x1  }
0x91: {  	s18 =	sld [smem:$0x3FFB];
	_ =	sdelay $0x3  }
0x92: {  	_ =	strace s18  }
0x93: {  	s3 =	sld [smem:$0x3FFC];
	_ =	sdelay $0x3  }
0x94: {  	_ =	strace s3  }
0x95: {  	s3 =	sld [smem:$0x3FFD];
	_ =	sdelay $0x3  }
0x96: {  	_ =	strace s3  }
0x97: {  	_ =	strace $0x8FFFFFFF  }
0x98: {  	s19 =	sld [smem:$0x3FDB];
	_ =	sdelay $0x1  }
0x99: {  	s4 =	simm.s32 $_scs_section_size  }
0x9a: {  	s5 =	simm.s32 $_size__tile_overlayer_lowered;
	s6 =	simm.s32 $_tile_overlayer_lowered  }
0x9b: {  	s22 =	simm.s32 $0x1BFF;
	s21 =	sshll.u32 s6, $0x1;
	s3 =	sadd.s32 s4, s19  }
0x9c: {  	s7 =	simm.s32 $0x0;
	s20 =	sshll.u32 s5, $0x1;
	s5 =	sadd.s32 s21, s3  }
0x9d: {  	[timem:s7], [sflag:s22] =	dma.local [hbm:s5], s20  }
0x9e: {  	_ =	swait.ge [sflag:s22], s20  }
0x9f: {  	s4 =	ssub.s32 $0x0, s20;
	[sflag:s22] =	ssyncset.done $0x0  }
0xa0: {  	[sflag:s22] =	ssyncadd.s32 s4;
	_ =	sdelay $0x1  }
0xa1: {  	s23 =	simm.s32 $0x1B8B  }
0xa2: {  	_ =	swait.ge [sflag:s23], $0x1  }
0xa3: {  	[sflag:s23] =	ssyncset.done $0x0  }
0xa4: {  	s25 =	simm.s32 $0x1B8E;
	s24 =	sld [smem:$0x3FFE];
	[sflag:s23] =	ssyncadd.s32 $0xFFFFFFFF  }
0xa5: {  	s26 =	simm.s32 $execute0_lowered;
	[smem:$0x3FD2] =	sst s25  }
0xa6: {  	s5 =	sshll.u32 s26, $0x1;
	_ =	strace $0x80000046;
	[dreg:$0x1] =	wrdreg $0xFFFFFFFF  }
0xa7: {  	s28 =	simm.s32 $_size_execute0_lowered;
	s3 =	sadd.s32 s3, s5;
	[dreg:$0x0] =	wrdreg $0x0  }
0xa8: {  	s5 =	sshll.u32 s28, $0x1;
	[dreg:$0x2] =	wrdreg s3  }
0xa9: {  	[dreg:$0x3] =	wrdreg s5  }
0xaa: {  	[dreg:$0x4] =	wrdreg $0xC0  }
0xab: {  	_ =	task [dreg:s7], $0x5FFFF  }
0xac: {  	[dreg:$0x1] =	wrdreg $0xFFFFFFFF  }
0xad: {  	[dreg:$0x0] =	wrdreg $0x60  }
0xae: {  	[dreg:$0x2] =	wrdreg s2  }
0xaf: {  	[dreg:$0x3] =	wrdreg s24  }
0xb0: {  	[dreg:$0x4] =	wrdreg $0x9  }
0xb1: {  	_ =	task.clear_ibuf [dreg:s7], $0x5FFFF;
	_ =	strace $0x90000046  }
0xb2: {  	s29 =	simm.s32 $0x9;
	_ =	strace $0x80000048  }
0xb3: {  	_ =	swait.ge [sflag:s29], $0x1  }
0xb4: {  	[sflag:s29] =	ssyncadd.s32 $0xFFFFFFFF  }
0xb5: {  	_ =	strace $0x90000048  }
0xb6: {  	_ =	sfence  }
0xb7: {  	s30 =	sld [smem:$0x0];
	_ =	sdelay $0x2  }
0xb8: {  	s31 =	sshll.u32 s1, $0xD;
	s1 =	sshrl.u32 s1, $0x2  }
0xb9: {  	s3 =	sand.u32 $0x4000, s31;
	s1 =	sadd.s32 s1, s30  }
0xba: {  	s0 =	sor.u32 s3, s0;
	s1 =	sshll.u32 s1, $0x11  }
0xbb: {  	s0 =	sor.u32 s1, s0  }
0xbc: {  	s0 =	sadd.s32 $0x8F2B, s0  }
0xbd: {  	[sflag:s0] =	ssyncadd.remote.s32 $0x1  }
0xbe: {  	_ =	sfence.sel $0xFFFF  }
0xbf: {  	[dreg:$0x0] =	wrdreg $0xFFFFFFFF;
	(pc) =	sbr.abs _section_cstart, $3  }
0xc0: {  	[dreg:$0x1] =	wrdreg $0xFFFFFFFF  }
0xc1: {  	_ =	task.clear_ibuf [dreg:s7], $0x2FFFF;
	_ =	strace $0x9FFFFFFF  }
0xc2: {  	(tm) =	ssettm $0x7FFFFFFF  }
0xc3: {  	_ =	shalt  }
tec
execute0_lowered:
.L_overlay_start_1:
0x0: {  	(tag) =	ssettag $0x1  }
0x1: {  	s0 =	stileid.u32;
	s5 =	rddreg [dreg:$0x1]  }
0x2: {  	s6 =	rddreg [dreg:$0x0];
	s28 =	srdreg.scid  }
0x3: {  	s1 =	sshrl.u32 s0, $0x1;
	s2 =	sadd.s32 $0x5000, s5;
	s3 =	sadd.s32 $0x8400, s5  }
0x4: {  	s10 =	sadd.s32 $0x9E00, s5;
	s4 =	sadd.s32 $0xB800, s5;
	s12 =	sadd.s32 $0xD200, s5  }
0x5: {  	s13 =	sadd.s32 $0x6A00, s5;
	s7 =	sand.u32 $0x1, s28;
	s29 =	sshll.u32 s0, $0x1  }
0x6: {  	s11 =	sadd.s32 $0x1C00, s5;
	s14 =	sadd.s32 $0x3600, s5;
	p0 =	sgt.s32 s1, $0x3  }
0x7: {  	s8 =	sor.u32 s7, s29;
	s7 =	ssub.s32 $0x2, s7;
	p2 =	sgt.s32 @p0 s1, $0x5  }
0x8: {  	p5 =	sgt.s32 @!p0 s1, $0x1;
	s9 =	smul.u32 $0x680, s8;
	s30 =	sshrl.u32 s7, $0x1  }
0x9: {  	s31 =	sand.u32 $0x3, s8;
	s8 =	simm.s32 $0x2;
	p1 =	por !p2, !p0  }
0xa: {  	p4 =	por p2, !p0;
	s7 =	ssub.s32 s7, s30;
	p3 =	seq.s32 @!p1 s1, $0x6  }
0xb: {  	s15 =	smul.u32 $0x680, s31;
	p4 =	seq.s32 @!p4 s1, $0x4;
	p3 =	por @p0 !p3, !p2  }
0xc: {  	p4 =	por @p0 !p4, p2;
	p2 =	por !p5, p0;
	p3 =	por !p3, !p0  }
0xd: {  	s12 =	smov.u32 @p3 s4;
	p3 =	por !p4, !p0;
	p4 =	seq.s32 @!p2 s1, $0x2  }
0xe: {  	s4 =	sadd.s32 $0x1A00, s5;
	s10 =	smov.u32 @p3 s3;
	p3 =	por @!p0 !p4, !p5  }
0xf: {  	p4 =	por p5, p0;
	s3 =	sadd.s32 $0x1800, s5;
	s5 =	sadd.s32 s6, s9  }
0x10: {  	s6 =	smax.u32 s7, $0x1;
	p3 =	por !p3, p0;
	p4 =	seq.s32 @!p4 s1, $0x0  }
0x11: {  	s7 =	simm.s32 $0x6880;
	s13 =	smov.u32 @p3 s2;
	p3 =	por @!p0 !p4, p5  }
0x12: {  	s9 =	simm.s32 $0x6900;
	s1 =	rddreg [dreg:$0x2];
	p3 =	por !p3, p0  }
0x13: {  	s12 =	smov.u32 @p1 s10;
	s2 =	simm.s32 $0x0;
	s14 =	smov.u32 @p3 s11  }
0x14: {  	s10 =	simm.s32 $0x6800;
	[smem:$0x7FF] =	sst s2;
	s13 =	smov.u32 @p2 s14  }
0x15: {  	_ =	strace $0x80000047;
	s11 =	simm.s32 $0x1;
	s13 =	smov.u32 @p0 s12  }
0x16: {  	v0 =	vimm.s32 $0x0;
	s14 =	simm.s32 $0x0;
	s12 =	sadd.s32 s13, s15;
	s13 =	simm.s32 $0x3400  }
.LBB2_1:
0x17: {  	[tilespmem:s2], [sflag:$0x1] =	stream.linear.gather [hbm4b:s5+s2], $0x3400, $0x38;
	[tilespmem:$0x6980] =	vst v63  }
0x18: {  	_ = 	snop  }
0x19: {  	[tilespmem:s7], [sflag:$0x2] =	stream.linear.gather [hbm4b:s3+s2], $0x80, $0x38;
	[tilespmem:$0x6980] =	vst v63  }
0x1a: {  	_ =	swait.ge [sflag:s8], $0x80  }
0x1b: {  	[sflag:s8] =	ssyncset.done $0x0  }
0x1c: {  	[sflag:s8] =	ssyncadd.s32 $0xFFFFFF80  }
0x1d: {  	[tilespmem:s9], [sflag:$0x2] =	stream.linear.gather [hbm4b:s4+s2], $0x80, $0x38;
	[tilespmem:$0x6980] =	vst v63  }
0x1e: {  	_ =	swait.ge [sflag:s8], $0x80  }
0x1f: {  	[sflag:s8] =	ssyncset.done $0x0  }
0x20: {  	[sflag:s8] =	ssyncadd.s32 $0xFFFFFF80  }
0x21: {  	v1 =	vld [tilespmem:$0x6880];
	_ =	sdelay $0x2  }
0x22: {  	v2 =	vld [tilespmem:$0x6900]  }
0x23: {  	[tilespmem:$0x6800] =	vst v0  }
0x24: {  	[tilespmem:$0x6810] =	vst v0  }
0x25: {  	[tilespmem:$0x6820] =	vst v0  }
0x26: {  	[tilespmem:$0x6830] =	vst v0  }
0x27: {  	[tilespmem:v1+s10+$0x0] =	vst.idx.msk $0xffff, v2  }
0x28: {  	v1 =	vld [tilespmem:$0x6890];
	_ =	sdelay $0x2  }
0x29: {  	v2 =	vld [tilespmem:$0x6910];
	_ =	sdelay $0x4  }
0x2a: {  	[tilespmem:v1+s10+$0x0] =	vst.idx.msk $0xffff, v2  }
0x2b: {  	_ =	swait.ge [sflag:s11], $0x3400  }
0x2c: {  	[sflag:s11] =	ssyncset.done $0x0  }
0x2d: {  	s15 =	simm.s32 $0x40;
	[sflag:s11] =	ssyncadd.s32 $0xFFFFCC00  }
0x2e: {  	v1 =	vld [tilespmem:s15+$0x30]  }
0x2f: {  	v2 =	vld [tilespmem:s15+$0xFFFFFFD0]  }
0x30: {  	v3 =	vld [tilespmem:s15+$0xFFFFFFE0]  }
0x31: {  	v4 =	vld [tilespmem:s15+$0xFFFFFFF0]  }
0x32: {  	v5 =	vld [tilespmem:s15+$0x0]  }
0x33: {  	v7 =	vld [tilespmem:s15+$0x10]  }
0x34: {  	v8 =	vld [tilespmem:s15+$0x20]  }
0x35: {  	v9 =	vld [tilespmem:s15+$0xFFFFFFC0]  }
0x36: {  	v10 =	vld.idx.msk [tilespmem:v1+s10+$0x0], $0xffff  }
0x37: {  	v11 =	vld.idx.msk [tilespmem:v2+s10+$0x0], $0xffff  }
0x38: {  	v6 =	vld.idx.msk [tilespmem:v3+s10+$0x0], $0xffff  }
0x39: {  	v4 =	vld.idx.msk [tilespmem:v4+s10+$0x0], $0xffff  }
0x3a: {  	v1 =	vld.idx.msk [tilespmem:v5+s10+$0x0], $0xffff  }
0x3b: {  	s15 =	simm.s32 $0x3440;
	v2 =	vld.idx.msk [tilespmem:v7+s10+$0x0], $0xffff  }
0x3c: {  	v3 =	vld.idx.msk [tilespmem:v8+s10+$0x0], $0xffff;
	[tilespmem:s15+$0x30] =	vst v10  }
0x3d: {  	s16 =	simm.s32 $0x0;
	s17 =	simm.s32 $0xC0;
	v5 =	vld.idx.msk [tilespmem:v9+s10+$0x0], $0xffff;
	[tilespmem:s15+$0xFFFFFFD0] =	vst v11  }
.LBB2_2:
0x3e: {  	v7 =	vld [tilespmem:s17+$0x30];
	s16 =	sadd.s32 $0x80, s16;
	[tilespmem:s15+$0xFFFFFFE0] =	vst v6  }
0x3f: {  	v6 =	vld [tilespmem:s17+$0xFFFFFFD0];
	p0 =	slt.u32 s16, $0x3380;
	[tilespmem:s15+$0xFFFFFFF0] =	vst v4  }
0x40: {  	v4 =	vld [tilespmem:s17+$0xFFFFFFE0];
	[tilespmem:s15+$0x0] =	vst v1  }
0x41: {  	v1 =	vld [tilespmem:s17+$0xFFFFFFF0];
	[tilespmem:s15+$0x10] =	vst v2  }
0x42: {  	v2 =	vld [tilespmem:s17+$0x0];
	[tilespmem:s15+$0x20] =	vst v3  }
0x43: {  	v3 =	vld [tilespmem:s17+$0x10];
	[tilespmem:s15+$0xFFFFFFC0] =	vst v5  }
0x44: {  	v5 =	vld [tilespmem:s17+$0x20]  }
0x45: {  	v8 =	vld [tilespmem:s17+$0xFFFFFFC0]  }
0x46: {  	v7 =	vld.idx.msk [tilespmem:v7+s10+$0x0], $0xffff  }
0x47: {  	v9 =	vld.idx.msk [tilespmem:v6+s10+$0x0], $0xffff  }
0x48: {  	v6 =	vld.idx.msk [tilespmem:v4+s10+$0x0], $0xffff  }
.Ltmp0:
0x49: {  	v4 =	vld.idx.msk [tilespmem:v1+s10+$0x0], $0xffff;
	(pc) =	sbr.rel @p0 .LBB2_2-.Ltmp0, $4  }
0x4a: {  	v1 =	vld.idx.msk [tilespmem:v2+s10+$0x0], $0xffff  }
0x4b: {  	s15 =	sadd.s32 $0x80, s15;
	v2 =	vld.idx.msk [tilespmem:v3+s10+$0x0], $0xffff  }
0x4c: {  	v3 =	vld.idx.msk [tilespmem:v5+s10+$0x0], $0xffff;
	[tilespmem:s15+$0x30] =	vst v7  }
0x4d: {  	s17 =	sadd.s32 $0x80, s17;
	v5 =	vld.idx.msk [tilespmem:v8+s10+$0x0], $0xffff;
	[tilespmem:s15+$0xFFFFFFD0] =	vst v9  }
0x4e: {  	[tilespmem:s15+$0xFFFFFFE0] =	vst v6  }
0x4f: {  	[tilespmem:s15+$0xFFFFFFF0] =	vst v4  }
0x50: {  	[tilespmem:s15+$0x0] =	vst v1  }
0x51: {  	s14 =	sadd.s32 $0x1, s14;
	[tilespmem:s15+$0x10] =	vst v2  }
0x52: {  	p0 =	sne.s32 s14, s6;
	[tilespmem:s15+$0x20] =	vst v3  }
.Ltmp1:
0x53: {  	[tilespmem:s15+$0xFFFFFFC0] =	vst v5;
	(pc) =	sbr.rel @p0 .LBB2_1-.Ltmp1, $4  }
0x54: {  	[hbm4b:s12+s2] =	stream.linear.scatter [tilespmem:s13], [sflag:$0x2], $0x3400, $0x38;
	[tilespmem:$0x6980] =	vst v63  }
0x55: {  	_ =	swait.ge [sflag:s8], $0x3400  }
0x56: {  	[sflag:s8] =	ssyncset.done $0x0  }
0x57: {  	[sflag:s8] =	ssyncadd.s32 $0xFFFFCC00  }
0x58: {  	_ =	sfence.sel $0x180000  }
0x59: {  	[bflag:$0x0] =	sbarrier.arrive $0xFFFF  }
0x5a: {  	p0 =	sne.s32 s0, $0x0;
	_ =	strace $0x90000047  }
0x5b: {  	s0 =	sadd.s32 @!p0 $0x100000, s1;
	[bflag:$0x2] =	sbarrier.arrive $0xFFFF  }
0x5c: {  	[sflag:s0] =	ssyncadd.tile.s32 @!p0 $0x1;
	_ =	shalt  }
.Lfunc_end2:
_tile_overlayer_lowered:
.L_overlay_start_2:
0x5d: {  	(tag) =	ssettag $0x2  }
0x5e: {  	s0 =	rddreg [dreg:$0x0];
	s2 =	stileid.u32  }
0x5f: {  	s1 =	rddreg [dreg:$0x1];
	p0 =	sne.s32 s2, $0x0  }
0x60: {  	s3 =	rddreg [dreg:$0x2];
	[bflag:$0x3] =	sbarrier.arrive $0xFFFF;
	s2 =	simm.s32 @!p0 $0x1C02  }
0x61: {  	[timem:s3], [sflag:s2] =	dma.local @!p0 [hbm:s0], s1  }
0x62: {  	s0 =	simm.s32 @!p0 $0x2  }
0x63: {  	_ =	swait.ge @!p0 [sflag:s0], s1  }
0x64: {  	s1 =	ssub.s32 @!p0 $0x0, s1;
	[sflag:s0] =	ssyncset.done @!p0 $0x0  }
0x65: {  	[sflag:s0] =	ssyncadd.s32 @!p0 s1  }
0x66: {  	[bflag:$0x3] =	sbarrier.arrive $0xFFFF  }
0x67: {  	_ =	shalt  }

</sc_bundles>
